<compile_context>
chip_gen: v7x
topology: tpu7x:2x2x1
jax: 0.10.2.dev20260603
libtpu: 0.0.44.dev20260713+nightly
codegen_flags: <defaults>
</compile_context>

<pallas_src>
import jax
import jax.numpy as jnp
import numpy as np
from jax import lax
from jax.experimental import pallas as pl
from jax.experimental.pallas import tpu as pltpu
from jax.experimental.pallas import tpu_sc as plsc

B = 32
T = 256
V = 1024
BEAM = 100
BLANK = V - 1
EPS = 1e-7
NEG = -1e30
LANES = 128
BIGI = 2**30

_PAIRS = [(k, j) for k in range(BEAM) for j in range(BEAM // (k + 1))]
NCAND = len(_PAIRS)
CPAD = 512
_K_OF = np.zeros((CPAD,), np.int32)
_J_OF = np.zeros((CPAD,), np.int32)
for _c, (_k, _j) in enumerate(_PAIRS):
    _K_OF[_c] = _k
    _J_OF[_c] = _j
_EK = np.zeros((LANES, CPAD), np.float32)
_EJ = np.zeros((LANES, CPAD), np.float32)
for _c, (_k, _j) in enumerate(_PAIRS):
    _EK[_k, _c] = 1.0
    _EJ[_j, _c] = 1.0


def _k1_body(x_ref, lv_ref, li_ref):
    lp = x_ref[0]
    pos = lax.broadcasted_iota(jnp.int32, (32, V), 1)
    lane = lax.broadcasted_iota(jnp.int32, (32, LANES), 1)
    accv0 = jnp.full((32, LANES), NEG, jnp.float32)
    acci0 = jnp.zeros((32, LANES), jnp.int32)

    def step(r, carry):
        cur, accv, acci = carry
        m = jnp.max(cur, axis=1, keepdims=True)
        hit = cur == m
        psel = jnp.min(jnp.where(hit, pos, BIGI), axis=1, keepdims=True)
        accv = jnp.where(lane == r, m, accv)
        acci = jnp.where(lane == r, psel, acci)
        cur = jnp.where(pos == psel, NEG, cur)
        return cur, accv, acci

    _, accv, acci = lax.fori_loop(0, BEAM, step, (lp, accv0, acci0))
    lv_ref[0] = accv
    li_ref[0] = acci


def _k2_body(lv_ref, ek_ref, ej_ref, pos_ref, sc_ref, s_ref):
    t = pl.program_id(0)
    lane = lax.broadcasted_iota(jnp.int32, (B, LANES), 1)

    @pl.when(t == 0)
    def _():
        s_ref[...] = jnp.where(lane == 0, 0.0, NEG).astype(jnp.float32)

    s = s_ref[...]
    l = lv_ref[:, 0, 0, :]
    cand = (jnp.dot(s, ek_ref[...], precision=lax.Precision.HIGHEST,
                    preferred_element_type=jnp.float32)
            + jnp.dot(l, ej_ref[...], precision=lax.Precision.HIGHEST,
                      preferred_element_type=jnp.float32))
    cpos = lax.broadcasted_iota(jnp.int32, (B, CPAD), 1)
    cand = jnp.where(cpos < NCAND, cand, NEG)

    accv0 = jnp.full((B, LANES), NEG, jnp.float32)
    accp0 = jnp.zeros((B, LANES), jnp.int32)

    def step(r, carry):
        cur, accv, accp = carry
        m = jnp.max(cur, axis=1, keepdims=True)
        hit = cur == m
        psel = jnp.min(jnp.where(hit, cpos, BIGI), axis=1, keepdims=True)
        accv = jnp.where(lane == r, m, accv)
        accp = jnp.where(lane == r, psel, accp)
        cur = jnp.where(cpos == psel, NEG, cur)
        return cur, accv, accp

    _, accv, accp = lax.fori_loop(0, BEAM, step, (cand, accv0, accp0))
    s_ref[...] = accv
    pos_ref[:, 0, 0, :] = accp
    sc_ref[...] = accv


def _k3_body(pos_hbm, li_hbm, kof_hbm, jof_hbm, out_hbm,
             pos_v, li_v, kof_v, jof_v, seq_v, out_v):
    b = lax.axis_index("s") * 2 + lax.axis_index("c")
    pltpu.sync_copy(pos_hbm.at[b], pos_v)
    pltpu.sync_copy(li_hbm.at[b], li_v)
    pltpu.sync_copy(kof_hbm, kof_v)
    pltpu.sync_copy(jof_hbm, jof_v)
    lanes = lax.iota(jnp.int32, 16)
    lane0 = lanes == 0

    def bt(i, ptr):
        tv = jnp.full((16,), T - 1 - i, jnp.int32)
        p = plsc.load_gather(pos_v, [tv * LANES + ptr])
        k = plsc.load_gather(kof_v, [p])
        j = plsc.load_gather(jof_v, [p])
        v = plsc.load_gather(li_v, [tv * LANES + j])
        plsc.store_scatter(seq_v, [tv], v, mask=lane0)
        return k

    lax.fori_loop(0, T, bt, jnp.zeros((16,), jnp.int32))

    def initc(i, c):
        plsc.store_scatter(out_v, [i * 16 + lanes],
                           jnp.full((16,), -1, jnp.int32))
        return c

    lax.fori_loop(0, T // 16, initc, jnp.int32(0))

    def col(i, base):
        iv = i * 16 + lanes
        sv = plsc.load_gather(seq_v, [iv])
        pv = plsc.load_gather(seq_v, [jnp.maximum(iv - 1, 0)])
        pv = jnp.where(iv == 0, jnp.int32(-1), pv)
        keep = (sv != pv) & (sv != BLANK)
        dest = base + plsc.cumsum(keep.astype(jnp.int32)) - 1
        dest = jnp.maximum(dest, 0)
        plsc.store_scatter(out_v, [dest], sv, mask=keep)
        return base + plsc.all_reduce_population_count(keep)

    lax.fori_loop(0, T // 16, col, jnp.zeros((16,), jnp.int32))
    pltpu.sync_copy(out_v, out_hbm.at[b])


def kernel(inputs):
    x = jnp.log(inputs + EPS)
    lv, li = pl.pallas_call(
        _k1_body,
        grid=(B, T // 32),
        in_specs=[pl.BlockSpec((1, 32, V), lambda b, tb: (b, tb, 0))],
        out_specs=[pl.BlockSpec((1, 32, LANES), lambda b, tb: (b, tb, 0)),
                   pl.BlockSpec((1, 32, LANES), lambda b, tb: (b, tb, 0))],
        out_shape=[jax.ShapeDtypeStruct((B, T, LANES), jnp.float32),
                   jax.ShapeDtypeStruct((B, T, LANES), jnp.int32)],
    )(x)

    pos4, scores = pl.pallas_call(
        _k2_body,
        grid=(T,),
        in_specs=[pl.BlockSpec((B, 1, 1, LANES), lambda t: (0, t, 0, 0)),
                  pl.BlockSpec((LANES, CPAD), lambda t: (0, 0)),
                  pl.BlockSpec((LANES, CPAD), lambda t: (0, 0))],
        out_specs=[pl.BlockSpec((B, 1, 1, LANES), lambda t: (0, t, 0, 0)),
                   pl.BlockSpec((B, LANES), lambda t: (0, 0))],
        out_shape=[jax.ShapeDtypeStruct((B, T, 1, LANES), jnp.int32),
                   jax.ShapeDtypeStruct((B, LANES), jnp.float32)],
        scratch_shapes=[pltpu.VMEM((B, LANES), jnp.float32)],
    )(lv.reshape(B, T, 1, LANES), jnp.asarray(_EK), jnp.asarray(_EJ))
    pos = pos4.reshape(B, T, LANES)

    mesh = plsc.VectorSubcoreMesh(core_axis_name="c", subcore_axis_name="s")
    decoded = pl.kernel(
        _k3_body,
        mesh=mesh,
        compiler_params=pltpu.CompilerParams(needs_layout_passes=False),
        out_type=jax.ShapeDtypeStruct((B, T), jnp.int32),
        scratch_types=[
            pltpu.VMEM((T * LANES,), jnp.int32),
            pltpu.VMEM((T * LANES,), jnp.int32),
            pltpu.VMEM((CPAD,), jnp.int32),
            pltpu.VMEM((CPAD,), jnp.int32),
            pltpu.VMEM((T,), jnp.int32),
            pltpu.VMEM((T,), jnp.int32),
        ],
    )(pos.reshape(B, T * LANES), li.reshape(B, T * LANES),
      jnp.asarray(_K_OF), jnp.asarray(_J_OF))

    return decoded, scores[:, :1]

# --- scband reference (transcript-rebuilt; emitter-appended) ---
"""Pipeline reference for scband-ctcdecoder-30966714204687 (READ-ONLY COPY).

The authoritative reference and input builder live on the scoring server;
editing this copy changes nothing except your own understanding.
"""

import jax, jax.numpy as jnp
import numpy as np

BEAM_WIDTH = 100
EPSILON = 1e-7

def setup_inputs(seed: int = 0) -> dict:
    key = jax.random.key(seed)
    inputs = jax.random.uniform(key, (32, 256, 1024), dtype=jnp.float32)
    return {"inputs": inputs}

def reference(inputs):
    # CTC beam-search decode (K.ctc_decode with greedy=False).
    # TF convention: blank index = num_classes - 1; scores are log-probs of the beams.
    B, T, V = inputs.shape
    beam = BEAM_WIDTH
    blank = V - 1
    log_probs = jnp.log(inputs + EPSILON)  # K.ctc_decode applies log(y_pred + epsilon)
    NEG = jnp.float32(-1e30)
    init_scores = jnp.full((B, beam), NEG, dtype=jnp.float32).at[:, 0].set(0.0)
    init_seqs = jnp.full((B, beam, T), blank, dtype=jnp.int32)

    def step(carry, xs):
        scores, seqs = carry
        t, lp = xs  # lp: [B, V]
        cand = scores[:, :, None] + lp[:, None, :]          # [B, beam, V]
        flat = cand.reshape(B, beam * V)
        top_scores, top_idx = jax.lax.top_k(flat, beam)      # prune to beam width
        beam_idx = top_idx // V                              # which parent beam
        sym = (top_idx % V).astype(jnp.int32)                # which symbol extended
        new_seqs = jnp.take_along_axis(seqs, beam_idx[:, :, None], axis=1)
        new_seqs = new_seqs.at[:, :, t].set(sym)
        return (top_scores, new_seqs), None

    lp_t = jnp.transpose(log_probs, (1, 0, 2))               # [T, B, V]
    (scores, seqs), _ = jax.lax.scan(step, (init_scores, init_seqs), (jnp.arange(T), lp_t))

    # CTC collapse of the best beam: merge repeats, drop blanks, left-pack, pad with -1
    best_seq = seqs[:, 0, :]                                 # [B, T]
    prev = jnp.concatenate([jnp.full((B, 1), -1, jnp.int32), best_seq[:, :-1]], axis=1)
    keep = (best_seq != prev) & (best_seq != blank)
    order = jnp.argsort((~keep).astype(jnp.int32), axis=1)   # stable: kept tokens first
    gathered = jnp.take_along_axis(best_seq, order, axis=1)
    keep_sorted = jnp.take_along_axis(keep, order, axis=1)
    decoded = jnp.where(keep_sorted, gathered, jnp.int32(-1))  # [B, T], padded with -1
    top_path_scores = scores[:, :1]                          # [B, 1] log-prob of best beam
    return decoded, top_path_scores

if __name__ == "__main__":
    import jax
    _d = setup_inputs()
    print(jax.jit(kernel)(*tuple(_d.values())))

</pallas_src>

<mosaic_0001>
#map = affine_map<(d0, d1) -> (0, 0)>
#map1 = affine_map<(d0, d1) -> (0)>
module attributes {stable_mosaic.version = 14 : i64} {
  func.func @_k3_body(%arg0: i32, %arg1: i32, %arg2: memref<32x32768xi32, #tpu.memory_space<hbm>>, %arg3: memref<32x32768xi32, #tpu.memory_space<hbm>>, %arg4: memref<512xi32, #tpu.memory_space<hbm>>, %arg5: memref<512xi32, #tpu.memory_space<hbm>>, %arg6: memref<32x256xi32, #tpu.memory_space<hbm>>, %arg7: memref<32768xi32, #tpu.memory_space<vmem>>, %arg8: memref<32768xi32, #tpu.memory_space<vmem>>, %arg9: memref<512xi32, #tpu.memory_space<vmem>>, %arg10: memref<512xi32, #tpu.memory_space<vmem>>, %arg11: memref<256xi32, #tpu.memory_space<vmem>>, %arg12: memref<256xi32, #tpu.memory_space<vmem>>) attributes {dimension_semantics = [#tpu.dimension_semantics<core_parallel>, #tpu.dimension_semantics<subcore_parallel>], iteration_bounds = array<i64: 2, 16>, scalar_prefetch = 0 : i64, scratch_operands = 6 : i64, tpu.core_type = #tpu.core_type<sc_vector_subcore>, window_params = [{transform_indices = #map}, {transform_indices = #map}, {transform_indices = #map1}, {transform_indices = #map1}, {transform_indices = #map}]} {
    %mul3A = arith.constant 2 : i32
    %mul3A_0 = arith.muli %arg1, %mul3A : i32
    %add3A = arith.addi %mul3A_0, %arg0 : i32
    "tpu.region"() ({
      %run_scoped3A = tpu.sem_alloc : memref<!tpu.dma_semaphore, #tpu.memory_space<semaphore_mem>>
      %dma_start3A = arith.constant 0 : i32
      %dma_start3A_23 = tpu.memref_slice %arg2[%add3A, %dma_start3A] : memref<32x32768xi32, #tpu.memory_space<hbm>> -> memref<1x32768xi32, #tpu.memory_space<hbm>>
      %dma_start3A_24 = tpu.memref_squeeze %dma_start3A_23 : memref<1x32768xi32, #tpu.memory_space<hbm>> -> memref<32768xi32, #tpu.memory_space<hbm>>
      %dma_start3A_25 = arith.constant 0 : i32
      %dma_start3A_26 = tpu.memref_slice %arg2[%add3A, %dma_start3A_25] : memref<32x32768xi32, #tpu.memory_space<hbm>> -> memref<1x32768xi32, #tpu.memory_space<hbm>>
      %dma_start3A_27 = tpu.memref_squeeze %dma_start3A_26 : memref<1x32768xi32, #tpu.memory_space<hbm>> -> memref<32768xi32, #tpu.memory_space<hbm>>
      tpu.enqueue_dma source(%dma_start3A_27 : memref<32768xi32, #tpu.memory_space<hbm>>) target(%arg7 : memref<32768xi32, #tpu.memory_space<vmem>>) target_semaphore(%run_scoped3A : memref<!tpu.dma_semaphore, #tpu.memory_space<semaphore_mem>>)
      %dma_wait3A = arith.constant 0 : i32
      %dma_wait3A_28 = tpu.memref_slice %arg2[%add3A, %dma_wait3A] : memref<32x32768xi32, #tpu.memory_space<hbm>> -> memref<1x32768xi32, #tpu.memory_space<hbm>>
      %dma_wait3A_29 = tpu.memref_squeeze %dma_wait3A_28 : memref<1x32768xi32, #tpu.memory_space<hbm>> -> memref<32768xi32, #tpu.memory_space<hbm>>
      %dma_wait3A_30 = arith.constant 0 : i32
      %dma_wait3A_31 = tpu.memref_slice %arg2[%add3A, %dma_wait3A_30] : memref<32x32768xi32, #tpu.memory_space<hbm>> -> memref<1x32768xi32, #tpu.memory_space<hbm>>
      %dma_wait3A_32 = tpu.memref_squeeze %dma_wait3A_31 : memref<1x32768xi32, #tpu.memory_space<hbm>> -> memref<32768xi32, #tpu.memory_space<hbm>>
      tpu.wait_dma2 semaphore(%run_scoped3A : memref<!tpu.dma_semaphore, #tpu.memory_space<semaphore_mem>>) src(%dma_wait3A_32 : memref<32768xi32, #tpu.memory_space<hbm>>) dst(%arg7 : memref<32768xi32, #tpu.memory_space<vmem>>)
      tpu.yield
    }) : () -> ()
    "tpu.region"() ({
      %run_scoped3A = tpu.sem_alloc : memref<!tpu.dma_semaphore, #tpu.memory_space<semaphore_mem>>
      %dma_start3A = arith.constant 0 : i32
      %dma_start3A_23 = tpu.memref_slice %arg3[%add3A, %dma_start3A] : memref<32x32768xi32, #tpu.memory_space<hbm>> -> memref<1x32768xi32, #tpu.memory_space<hbm>>
      %dma_start3A_24 = tpu.memref_squeeze %dma_start3A_23 : memref<1x32768xi32, #tpu.memory_space<hbm>> -> memref<32768xi32, #tpu.memory_space<hbm>>
      %dma_start3A_25 = arith.constant 0 : i32
      %dma_start3A_26 = tpu.memref_slice %arg3[%add3A, %dma_start3A_25] : memref<32x32768xi32, #tpu.memory_space<hbm>> -> memref<1x32768xi32, #tpu.memory_space<hbm>>
      %dma_start3A_27 = tpu.memref_squeeze %dma_start3A_26 : memref<1x32768xi32, #tpu.memory_space<hbm>> -> memref<32768xi32, #tpu.memory_space<hbm>>
      tpu.enqueue_dma source(%dma_start3A_27 : memref<32768xi32, #tpu.memory_space<hbm>>) target(%arg8 : memref<32768xi32, #tpu.memory_space<vmem>>) target_semaphore(%run_scoped3A : memref<!tpu.dma_semaphore, #tpu.memory_space<semaphore_mem>>)
      %dma_wait3A = arith.constant 0 : i32
      %dma_wait3A_28 = tpu.memref_slice %arg3[%add3A, %dma_wait3A] : memref<32x32768xi32, #tpu.memory_space<hbm>> -> memref<1x32768xi32, #tpu.memory_space<hbm>>
      %dma_wait3A_29 = tpu.memref_squeeze %dma_wait3A_28 : memref<1x32768xi32, #tpu.memory_space<hbm>> -> memref<32768xi32, #tpu.memory_space<hbm>>
      %dma_wait3A_30 = arith.constant 0 : i32
      %dma_wait3A_31 = tpu.memref_slice %arg3[%add3A, %dma_wait3A_30] : memref<32x32768xi32, #tpu.memory_space<hbm>> -> memref<1x32768xi32, #tpu.memory_space<hbm>>
      %dma_wait3A_32 = tpu.memref_squeeze %dma_wait3A_31 : memref<1x32768xi32, #tpu.memory_space<hbm>> -> memref<32768xi32, #tpu.memory_space<hbm>>
      tpu.wait_dma2 semaphore(%run_scoped3A : memref<!tpu.dma_semaphore, #tpu.memory_space<semaphore_mem>>) src(%dma_wait3A_32 : memref<32768xi32, #tpu.memory_space<hbm>>) dst(%arg8 : memref<32768xi32, #tpu.memory_space<vmem>>)
      tpu.yield
    }) : () -> ()
    "tpu.region"() ({
      %run_scoped3A = tpu.sem_alloc : memref<!tpu.dma_semaphore, #tpu.memory_space<semaphore_mem>>
      tpu.enqueue_dma source(%arg4 : memref<512xi32, #tpu.memory_space<hbm>>) target(%arg9 : memref<512xi32, #tpu.memory_space<vmem>>) target_semaphore(%run_scoped3A : memref<!tpu.dma_semaphore, #tpu.memory_space<semaphore_mem>>)
      tpu.wait_dma2 semaphore(%run_scoped3A : memref<!tpu.dma_semaphore, #tpu.memory_space<semaphore_mem>>) src(%arg4 : memref<512xi32, #tpu.memory_space<hbm>>) dst(%arg9 : memref<512xi32, #tpu.memory_space<vmem>>)
      tpu.yield
    }) : () -> ()
    "tpu.region"() ({
      %run_scoped3A = tpu.sem_alloc : memref<!tpu.dma_semaphore, #tpu.memory_space<semaphore_mem>>
      tpu.enqueue_dma source(%arg5 : memref<512xi32, #tpu.memory_space<hbm>>) target(%arg10 : memref<512xi32, #tpu.memory_space<vmem>>) target_semaphore(%run_scoped3A : memref<!tpu.dma_semaphore, #tpu.memory_space<semaphore_mem>>)
      tpu.wait_dma2 semaphore(%run_scoped3A : memref<!tpu.dma_semaphore, #tpu.memory_space<semaphore_mem>>) src(%arg5 : memref<512xi32, #tpu.memory_space<hbm>>) dst(%arg10 : memref<512xi32, #tpu.memory_space<vmem>>)
      tpu.yield
    }) : () -> ()
    %iota3A = tpu.iota {dimensions = array<i32: 0>} : vector<16xi32>
    %eq3A = arith.constant 0 : i32
    %eq3A_1 = vector.broadcast %eq3A : i32 to vector<16xi32>
    %eq3A_2 = arith.cmpi eq, %iota3A, %eq3A_1 : vector<16xi32>
    %broadcast_in_dim3A = arith.constant 0 : i32
    %broadcast_in_dim3A_3 = vector.broadcast %broadcast_in_dim3A : i32 to vector<16xi32>
    %scan3A = arith.constant 0 : i32
    %scan3A_4 = arith.constant 256 : i32
    %scan3A_5 = arith.addi %scan3A, %scan3A_4 : i32
    %scan3A_6 = arith.constant 1 : i32
    %scan3A_7 = scf.for %scan3A_23 = %scan3A to %scan3A_5 step %scan3A_6 iter_args(%scan3A_24 = %broadcast_in_dim3A_3) -> (vector<16xi32>)  : i32 {
      %sub3A = arith.constant 255 : i32
      %sub3A_25 = arith.subi %sub3A, %scan3A_23 : i32
      %broadcast_in_dim3A_26 = vector.broadcast %sub3A_25 : i32 to vector<16xi32>
      %mul3A_27 = arith.constant 128 : i32
      %mul3A_28 = vector.broadcast %mul3A_27 : i32 to vector<16xi32>
      %mul3A_29 = arith.muli %broadcast_in_dim3A_26, %mul3A_28 : vector<16xi32>
      %add3A_30 = arith.addi %mul3A_29, %scan3A_24 : vector<16xi32>
      %gather3A = tpu.vector_load_idx %arg7[%add3A_30] : memref<32768xi32, #tpu.memory_space<vmem>>[vector<16xi32>], vector<16xi32>,
      %gather3A_31 = tpu.vector_load_idx %arg9[%gather3A] : memref<512xi32, #tpu.memory_space<vmem>>[vector<16xi32>], vector<16xi32>,
      %gather3A_32 = tpu.vector_load_idx %arg10[%gather3A] : memref<512xi32, #tpu.memory_space<vmem>>[vector<16xi32>], vector<16xi32>,
      %mul3A_33 = arith.constant 128 : i32
      %mul3A_34 = vector.broadcast %mul3A_33 : i32 to vector<16xi32>
      %mul3A_35 = arith.muli %broadcast_in_dim3A_26, %mul3A_34 : vector<16xi32>
      %add3A_36 = arith.addi %mul3A_35, %gather3A_32 : vector<16xi32>
      %gather3A_37 = tpu.vector_load_idx %arg8[%add3A_36] : memref<32768xi32, #tpu.memory_space<vmem>>[vector<16xi32>], vector<16xi32>,
      tpu.vector_store_idx %arg11[%broadcast_in_dim3A_26], %gather3A_37 masked %eq3A_2 : memref<256xi32, #tpu.memory_space<vmem>>[vector<16xi32>], vector<16xi32>, vector<16xi1>
      scf.yield %gather3A_31 : vector<16xi32>
    }
    %scan3A_8 = arith.constant 256 : i32
    %scan3A_9 = arith.constant 0 : i32
    %scan3A_10 = arith.constant 0 : i32
    %scan3A_11 = arith.constant 16 : i32
    %scan3A_12 = arith.addi %scan3A_10, %scan3A_11 : i32
    %scan3A_13 = arith.constant 1 : i32
    scf.for %scan3A_23 = %scan3A_10 to %scan3A_12 step %scan3A_13  : i32 {
      %mul3A_24 = arith.constant 16 : i32
      %mul3A_25 = arith.muli %scan3A_23, %mul3A_24 : i32
      %add3A_26 = vector.broadcast %mul3A_25 : i32 to vector<16xi32>
      %add3A_27 = arith.addi %add3A_26, %iota3A : vector<16xi32>
      %broadcast_in_dim3A_28 = arith.constant -1 : i32
      %broadcast_in_dim3A_29 = vector.broadcast %broadcast_in_dim3A_28 : i32 to vector<16xi32>
      tpu.vector_store_idx %arg12[%add3A_27], %broadcast_in_dim3A_29 : memref<256xi32, #tpu.memory_space<vmem>>[vector<16xi32>], vector<16xi32>,
    }
    %scan3A_14 = arith.constant 16 : i32
    %broadcast_in_dim3A_15 = arith.constant 0 : i32
    %broadcast_in_dim3A_16 = vector.broadcast %broadcast_in_dim3A_15 : i32 to vector<16xi32>
    %scan3A_17 = arith.constant 0 : i32
    %scan3A_18 = arith.constant 16 : i32
    %scan3A_19 = arith.addi %scan3A_17, %scan3A_18 : i32
    %scan3A_20 = arith.constant 1 : i32
    %scan3A_21 = scf.for %scan3A_23 = %scan3A_17 to %scan3A_19 step %scan3A_20 iter_args(%scan3A_24 = %broadcast_in_dim3A_16) -> (vector<16xi32>)  : i32 {
      %mul3A_25 = arith.constant 16 : i32
      %mul3A_26 = arith.muli %scan3A_23, %mul3A_25 : i32
      %add3A_27 = vector.broadcast %mul3A_26 : i32 to vector<16xi32>
      %add3A_28 = arith.addi %add3A_27, %iota3A : vector<16xi32>
      %gather3A = tpu.vector_load_idx %arg11[%add3A_28] : memref<256xi32, #tpu.memory_space<vmem>>[vector<16xi32>], vector<16xi32>,
      %sub3A = arith.constant 1 : i32
      %sub3A_29 = vector.broadcast %sub3A : i32 to vector<16xi32>
      %sub3A_30 = arith.subi %add3A_28, %sub3A_29 : vector<16xi32>
      %max3A = arith.constant 0 : i32
      %max3A_31 = vector.broadcast %max3A : i32 to vector<16xi32>
      %max3A_32 = arith.maxsi %sub3A_30, %max3A_31 : vector<16xi32>
      %gather3A_33 = tpu.vector_load_idx %arg11[%max3A_32] : memref<256xi32, #tpu.memory_space<vmem>>[vector<16xi32>], vector<16xi32>,
      %eq3A_34 = arith.constant 0 : i32
      %eq3A_35 = vector.broadcast %eq3A_34 : i32 to vector<16xi32>
      %eq3A_36 = arith.cmpi eq, %add3A_28, %eq3A_35 : vector<16xi32>
      %jit3A = arith.constant -1 : i32
      %broadcast_in_dim3A_37 = vector.broadcast %jit3A : i32 to vector<16xi32>
      %select_n3A = arith.select %eq3A_36, %broadcast_in_dim3A_37, %gather3A_33 : vector<16xi1>, vector<16xi32>
      %ne3A = arith.cmpi ne, %gather3A, %select_n3A : vector<16xi32>
      %ne3A_38 = arith.constant 1023 : i32
      %ne3A_39 = vector.broadcast %ne3A_38 : i32 to vector<16xi32>
      %ne3A_40 = arith.cmpi ne, %gather3A, %ne3A_39 : vector<16xi32>
      %and3A = arith.andi %ne3A, %ne3A_40 : vector<16xi1>
      %convert_element_type3A = arith.extui %and3A : vector<16xi1> to vector<16xi32>
      %broadcast_in_dim3A_41 = arith.constant true
      %broadcast_in_dim3A_42 = vector.broadcast %broadcast_in_dim3A_41 : i1 to vector<16xi1>
      %masked_cumsum3A = tpu.scan <sum>, %convert_element_type3A masked %broadcast_in_dim3A_42 : vector<16xi32>, vector<16xi1> -> vector<16xi32>
      %add3A_43 = arith.addi %scan3A_24, %masked_cumsum3A : vector<16xi32>
      %sub3A_44 = arith.constant 1 : i32
      %sub3A_45 = vector.broadcast %sub3A_44 : i32 to vector<16xi32>
      %sub3A_46 = arith.subi %add3A_43, %sub3A_45 : vector<16xi32>
      %max3A_47 = arith.constant 0 : i32
      %max3A_48 = vector.broadcast %max3A_47 : i32 to vector<16xi32>
      %max3A_49 = arith.maxsi %sub3A_46, %max3A_48 : vector<16xi32>
      tpu.vector_store_idx %arg12[%max3A_49], %gather3A masked %and3A : memref<256xi32, #tpu.memory_space<vmem>>[vector<16xi32>], vector<16xi32>, vector<16xi1>
      %all_reduce_population_count3A = tpu.all_reduce %and3A {dim = 0 : i64, kind = #tpu.reduction_kind<sum>} : vector<16xi1> -> vector<16xi32>
      %add3A_50 = arith.addi %scan3A_24, %all_reduce_population_count3A : vector<16xi32>
      scf.yield %add3A_50 : vector<16xi32>
    }
    %scan3A_22 = arith.constant 16 : i32
    "tpu.region"() ({
      %run_scoped3A = tpu.sem_alloc : memref<!tpu.dma_semaphore, #tpu.memory_space<semaphore_mem>>
      %dma_start3A = arith.constant 0 : i32
      %dma_start3A_23 = tpu.memref_slice %arg6[%add3A, %dma_start3A] : memref<32x256xi32, #tpu.memory_space<hbm>> -> memref<1x256xi32, #tpu.memory_space<hbm>>
      %dma_start3A_24 = tpu.memref_squeeze %dma_start3A_23 : memref<1x256xi32, #tpu.memory_space<hbm>> -> memref<256xi32, #tpu.memory_space<hbm>>
      %dma_start3A_25 = arith.constant 0 : i32
      %dma_start3A_26 = tpu.memref_slice %arg6[%add3A, %dma_start3A_25] : memref<32x256xi32, #tpu.memory_space<hbm>> -> memref<1x256xi32, #tpu.memory_space<hbm>>
      %dma_start3A_27 = tpu.memref_squeeze %dma_start3A_26 : memref<1x256xi32, #tpu.memory_space<hbm>> -> memref<256xi32, #tpu.memory_space<hbm>>
      tpu.enqueue_dma source(%arg12 : memref<256xi32, #tpu.memory_space<vmem>>) target(%dma_start3A_27 : memref<256xi32, #tpu.memory_space<hbm>>) target_semaphore(%run_scoped3A : memref<!tpu.dma_semaphore, #tpu.memory_space<semaphore_mem>>)
      %dma_wait3A = arith.constant 0 : i32
      %dma_wait3A_28 = tpu.memref_slice %arg6[%add3A, %dma_wait3A] : memref<32x256xi32, #tpu.memory_space<hbm>> -> memref<1x256xi32, #tpu.memory_space<hbm>>
      %dma_wait3A_29 = tpu.memref_squeeze %dma_wait3A_28 : memref<1x256xi32, #tpu.memory_space<hbm>> -> memref<256xi32, #tpu.memory_space<hbm>>
      %dma_wait3A_30 = arith.constant 0 : i32
      %dma_wait3A_31 = tpu.memref_slice %arg6[%add3A, %dma_wait3A_30] : memref<32x256xi32, #tpu.memory_space<hbm>> -> memref<1x256xi32, #tpu.memory_space<hbm>>
      %dma_wait3A_32 = tpu.memref_squeeze %dma_wait3A_31 : memref<1x256xi32, #tpu.memory_space<hbm>> -> memref<256xi32, #tpu.memory_space<hbm>>
      tpu.wait_dma2 semaphore(%run_scoped3A : memref<!tpu.dma_semaphore, #tpu.memory_space<semaphore_mem>>) src(%arg12 : memref<256xi32, #tpu.memory_space<vmem>>) dst(%dma_wait3A_32 : memref<256xi32, #tpu.memory_space<hbm>>)
      tpu.yield
    }) : () -> ()
    return
  }
}

module attributes {stable_mosaic.version = 14 : i64} {
  func.func @_k1_body(%arg0: i32, %arg1: i32, %arg2: memref<1x32x1024xf32, #tpu.memory_space<vmem>>, %arg3: memref<1x32x128xf32, #tpu.memory_space<vmem>>, %arg4: memref<1x32x128xi32, #tpu.memory_space<vmem>>) attributes {dimension_semantics = [#tpu.dimension_semantics<arbitrary>, #tpu.dimension_semantics<arbitrary>], iteration_bounds = array<i64: 32, 8>, scalar_prefetch = 0 : i64, scratch_operands = 0 : i64, tpu.core_type = #tpu.core_type<tc>, window_params = [{transform_indices = @transform_0, window_bounds = array<i64: 1, 32, 1024>}, {transform_indices = @transform_1, window_bounds = array<i64: 1, 32, 128>}, {transform_indices = @transform_2, window_bounds = array<i64: 1, 32, 128>}]} {
    %get3A = arith.constant 0 : index
    %get3A_0 = arith.constant 0 : index
    %get3A_1 = arith.constant 0 : index
    %get3A_2 = vector.load %arg2[%get3A, %get3A_0, %get3A_1] : memref<1x32x1024xf32, #tpu.memory_space<vmem>>, vector<1x32x1024xf32>
    %get3A_3 = vector.shape_cast %get3A_2 : vector<1x32x1024xf32> to vector<32x1024xf32>
    %iota3A = tpu.iota {dimensions = array<i32: 1>} : vector<32x1024xi32>
    %iota3A_4 = tpu.iota {dimensions = array<i32: 1>} : vector<32x128xi32>
    %broadcast_in_dim3A = arith.constant -1.000000e+30 : f32
    %broadcast_in_dim3A_5 = vector.broadcast %broadcast_in_dim3A : f32 to vector<32x128xf32>
    %broadcast_in_dim3A_6 = arith.constant 0 : i32
    %broadcast_in_dim3A_7 = vector.broadcast %broadcast_in_dim3A_6 : i32 to vector<32x128xi32>
    %scan3A = arith.constant 0 : i32
    %scan3A_8 = arith.constant 100 : i32
    %scan3A_9 = arith.addi %scan3A, %scan3A_8 : i32
    %scan3A_10 = arith.constant 1 : i32
    %scan3A_11:3 = scf.for %scan3A_24 = %scan3A to %scan3A_9 step %scan3A_10 iter_args(%scan3A_25 = %get3A_3, %scan3A_26 = %broadcast_in_dim3A_5, %scan3A_27 = %broadcast_in_dim3A_7) -> (vector<32x1024xf32>, vector<32x128xf32>, vector<32x128xi32>)  : i32 {
      %reduce_max3A = arith.constant dense<0xFF800000> : vector<32xf32>
      %reduce_max3A_28 = vector.multi_reduction <maximumf>, %scan3A_25, %reduce_max3A [1] : vector<32x1024xf32> to vector<32xf32>
      %broadcast_in_dim3A_29 = vector.shape_cast %reduce_max3A_28 : vector<32xf32> to vector<32x1xf32>
      %eq3A = vector.broadcast %broadcast_in_dim3A_29 : vector<32x1xf32> to vector<32x1024xf32>
      %eq3A_30 = arith.cmpf oeq, %scan3A_25, %eq3A : vector<32x1024xf32>
      %jit3A = arith.constant 1073741824 : i32
      %broadcast_in_dim3A_31 = vector.broadcast %jit3A : i32 to vector<32x1024xi32>
      %select_n3A = arith.select %eq3A_30, %iota3A, %broadcast_in_dim3A_31 : vector<32x1024xi1>, vector<32x1024xi32>
      %reduce_min3A = arith.constant dense<2147483647> : vector<32xi32>
      %reduce_min3A_32 = vector.multi_reduction <minsi>, %select_n3A, %reduce_min3A [1] : vector<32x1024xi32> to vector<32xi32>
      %broadcast_in_dim3A_33 = vector.shape_cast %reduce_min3A_32 : vector<32xi32> to vector<32x1xi32>
      %eq3A_34 = vector.broadcast %scan3A_24 : i32 to vector<32x128xi32>
      %eq3A_35 = arith.cmpi eq, %iota3A_4, %eq3A_34 : vector<32x128xi32>
      %broadcast_in_dim3A_36 = vector.shape_cast %broadcast_in_dim3A_29 : vector<32x1xf32> to vector<32x1xf32>
      %broadcast_in_dim3A_37 = vector.broadcast %broadcast_in_dim3A_36 : vector<32x1xf32> to vector<32x128xf32>
      %select_n3A_38 = arith.select %eq3A_35, %broadcast_in_dim3A_37, %scan3A_26 : vector<32x128xi1>, vector<32x128xf32>
      %eq3A_39 = vector.broadcast %scan3A_24 : i32 to vector<32x128xi32>
      %eq3A_40 = arith.cmpi eq, %iota3A_4, %eq3A_39 : vector<32x128xi32>
      %broadcast_in_dim3A_41 = vector.shape_cast %broadcast_in_dim3A_33 : vector<32x1xi32> to vector<32x1xi32>
      %broadcast_in_dim3A_42 = vector.broadcast %broadcast_in_dim3A_41 : vector<32x1xi32> to vector<32x128xi32>
      %select_n3A_43 = arith.select %eq3A_40, %broadcast_in_dim3A_42, %scan3A_27 : vector<32x128xi1>, vector<32x128xi32>
      %eq3A_44 = vector.broadcast %broadcast_in_dim3A_33 : vector<32x1xi32> to vector<32x1024xi32>
      %eq3A_45 = arith.cmpi eq, %iota3A, %eq3A_44 : vector<32x1024xi32>
      %jit3A_46 = arith.constant -1.000000e+30 : f32
      %broadcast_in_dim3A_47 = vector.broadcast %jit3A_46 : f32 to vector<32x1024xf32>
      %select_n3A_48 = arith.select %eq3A_45, %broadcast_in_dim3A_47, %scan3A_25 : vector<32x1024xi1>, vector<32x1024xf32>
      scf.yield %select_n3A_48, %select_n3A_38, %select_n3A_43 : vector<32x1024xf32>, vector<32x128xf32>, vector<32x128xi32>
    }
    %scan3A_12 = arith.constant 100 : i32
    %swap3A = arith.constant 0 : index
    %swap3A_13 = arith.constant 0 : index
    %swap3A_14 = arith.constant 0 : index
    %swap3A_15 = vector.load %arg3[%swap3A, %swap3A_13, %swap3A_14] : memref<1x32x128xf32, #tpu.memory_space<vmem>>, vector<1x32x128xf32>
    %swap3A_16 = vector.shape_cast %swap3A_15 : vector<1x32x128xf32> to vector<32x128xf32>
    %swap3A_17 = vector.shape_cast %scan3A_11#1 : vector<32x128xf32> to vector<1x32x128xf32>
    tpu.vector_store %arg3[%swap3A, %swap3A_13, %swap3A_14], %swap3A_17 {strides = array<i32>} : memref<1x32x128xf32, #tpu.memory_space<vmem>>, vector<1x32x128xf32>,
    %swap3A_18 = arith.constant 0 : index
    %swap3A_19 = arith.constant 0 : index
    %swap3A_20 = arith.constant 0 : index
    %swap3A_21 = vector.load %arg4[%swap3A_18, %swap3A_19, %swap3A_20] : memref<1x32x128xi32, #tpu.memory_space<vmem>>, vector<1x32x128xi32>
    %swap3A_22 = vector.shape_cast %swap3A_21 : vector<1x32x128xi32> to vector<32x128xi32>
    %swap3A_23 = vector.shape_cast %scan3A_11#2 : vector<32x128xi32> to vector<1x32x128xi32>
    tpu.vector_store %arg4[%swap3A_18, %swap3A_19, %swap3A_20], %swap3A_23 {strides = array<i32>} : memref<1x32x128xi32, #tpu.memory_space<vmem>>, vector<1x32x128xi32>,
    return
  }
  func.func @transform_0(%arg0: i32, %arg1: i32) -> (i32, i32, i32) {
    %c0_i32 = arith.constant 0 : i32
    %c0_i32_0 = arith.constant 0 : i32
    return %arg0, %arg1, %c0_i32 : i32, i32, i32
  }
  func.func @transform_1(%arg0: i32, %arg1: i32) -> (i32, i32, i32) {
    %c0_i32 = arith.constant 0 : i32
    %c0_i32_0 = arith.constant 0 : i32
    return %arg0, %arg1, %c0_i32 : i32, i32, i32
  }
  func.func @transform_2(%arg0: i32, %arg1: i32) -> (i32, i32, i32) {
    %c0_i32 = arith.constant 0 : i32
    %c0_i32_0 = arith.constant 0 : i32
    return %arg0, %arg1, %c0_i32 : i32, i32, i32
  }
}

module attributes {stable_mosaic.version = 14 : i64} {
  func.func @_k2_body(%arg0: i32, %arg1: memref<32x1x1x128xf32, #tpu.memory_space<vmem>>, %arg2: memref<128x512xf32, #tpu.memory_space<vmem>>, %arg3: memref<128x512xf32, #tpu.memory_space<vmem>>, %arg4: memref<32x1x1x128xi32, #tpu.memory_space<vmem>>, %arg5: memref<32x128xf32, #tpu.memory_space<vmem>>, %arg6: memref<32x128xf32, #tpu.memory_space<vmem>>) attributes {dimension_semantics = [#tpu.dimension_semantics<arbitrary>], iteration_bounds = array<i64: 256>, scalar_prefetch = 0 : i64, scratch_operands = 1 : i64, tpu.core_type = #tpu.core_type<tc>, window_params = [{transform_indices = @transform_0, window_bounds = array<i64: 32, 1, 1, 128>}, {pipeline_mode = #tpu.pipeline_mode<synchronous>, transform_indices = @transform_1, window_bounds = array<i64: 128, 512>}, {pipeline_mode = #tpu.pipeline_mode<synchronous>, transform_indices = @transform_2, window_bounds = array<i64: 128, 512>}, {transform_indices = @transform_3, window_bounds = array<i64: 32, 1, 1, 128>}, {pipeline_mode = #tpu.pipeline_mode<synchronous>, transform_indices = @transform_4, window_bounds = array<i64: 32, 128>}]} {
    %iota3A = tpu.iota {dimensions = array<i32: 1>} : vector<32x128xi32>
    %eq3A = arith.constant 0 : i32
    %eq3A_0 = arith.cmpi eq, %arg0, %eq3A : i32
    %convert_element_type3A = arith.extui %eq3A_0 : i1 to i32
    %cond3A = arith.constant 0 : i32
    %cond3A_1 = arith.cmpi ne, %convert_element_type3A, %cond3A : i32
    scf.if %cond3A_1 {
      %eq3A_43 = arith.constant 0 : i32
      %eq3A_44 = vector.broadcast %eq3A_43 : i32 to vector<32x128xi32>
      %eq3A_45 = arith.cmpi eq, %iota3A, %eq3A_44 : vector<32x128xi32>
      %jit3A_46 = arith.constant 0.000000e+00 : f32
      %jit3A_47 = arith.constant -1.000000e+30 : f32
      %broadcast_in_dim3A_48 = vector.broadcast %jit3A_46 : f32 to vector<32x128xf32>
      %broadcast_in_dim3A_49 = vector.broadcast %jit3A_47 : f32 to vector<32x128xf32>
      %select_n3A_50 = arith.select %eq3A_45, %broadcast_in_dim3A_48, %broadcast_in_dim3A_49 : vector<32x128xi1>, vector<32x128xf32>
      %swap3A_51 = arith.constant 0 : index
      %swap3A_52 = arith.constant 0 : index
      %swap3A_53 = vector.load %arg6[%swap3A_51, %swap3A_52] : memref<32x128xf32, #tpu.memory_space<vmem>>, vector<32x128xf32>
      tpu.vector_store %arg6[%swap3A_51, %swap3A_52], %select_n3A_50 {strides = array<i32>} : memref<32x128xf32, #tpu.memory_space<vmem>>, vector<32x128xf32>,
    } else {
    }
    %get3A = arith.constant 0 : index
    %get3A_2 = arith.constant 0 : index
    %get3A_3 = vector.load %arg6[%get3A, %get3A_2] : memref<32x128xf32, #tpu.memory_space<vmem>>, vector<32x128xf32>
    %get3A_4 = arith.constant 0 : index
    %get3A_5 = arith.constant 0 : index
    %get3A_6 = arith.constant 0 : index
    %get3A_7 = arith.constant 0 : index
    %get3A_8 = vector.load %arg1[%get3A_4, %get3A_5, %get3A_6, %get3A_7] : memref<32x1x1x128xf32, #tpu.memory_space<vmem>>, vector<32x1x1x128xf32>
    %get3A_9 = vector.shape_cast %get3A_8 : vector<32x1x1x128xf32> to vector<32x128xf32>
    %get3A_10 = arith.constant 0 : index
    %get3A_11 = arith.constant 0 : index
    %get3A_12 = vector.load %arg2[%get3A_10, %get3A_11] : memref<128x512xf32, #tpu.memory_space<vmem>>, vector<128x512xf32>
    %dot_general3A = arith.constant dense<0.000000e+00> : vector<32x512xf32>
    %dot_general3A_13 = tpu.matmul %get3A_3, %get3A_12, %dot_general3A {dimension_numbers = #tpu.dot_dimension_numbers<[1], [0], [0], [1], [0, 0, 1, 1], [], []>, precision = #tpu.contract_precision<fp32>, transpose_lhs_hint = false} : vector<32x128xf32>, vector<128x512xf32>, vector<32x512xf32> -> vector<32x512xf32>
    %get3A_14 = arith.constant 0 : index
    %get3A_15 = arith.constant 0 : index
    %get3A_16 = vector.load %arg3[%get3A_14, %get3A_15] : memref<128x512xf32, #tpu.memory_space<vmem>>, vector<128x512xf32>
    %dot_general3A_17 = arith.constant dense<0.000000e+00> : vector<32x512xf32>
    %dot_general3A_18 = tpu.matmul %get3A_9, %get3A_16, %dot_general3A_17 {dimension_numbers = #tpu.dot_dimension_numbers<[1], [0], [0], [1], [0, 0, 1, 1], [], []>, precision = #tpu.contract_precision<fp32>, transpose_lhs_hint = false} : vector<32x128xf32>, vector<128x512xf32>, vector<32x512xf32> -> vector<32x512xf32>
    %add3A = arith.addf %dot_general3A_13, %dot_general3A_18 : vector<32x512xf32>
    %iota3A_19 = tpu.iota {dimensions = array<i32: 1>} : vector<32x512xi32>
    %lt3A = arith.constant 482 : i32
    %lt3A_20 = vector.broadcast %lt3A : i32 to vector<32x512xi32>
    %lt3A_21 = arith.cmpi slt, %iota3A_19, %lt3A_20 : vector<32x512xi32>
    %jit3A = arith.constant -1.000000e+30 : f32
    %broadcast_in_dim3A = vector.broadcast %jit3A : f32 to vector<32x512xf32>
    %select_n3A = arith.select %lt3A_21, %add3A, %broadcast_in_dim3A : vector<32x512xi1>, vector<32x512xf32>
    %broadcast_in_dim3A_22 = arith.constant -1.000000e+30 : f32
    %broadcast_in_dim3A_23 = vector.broadcast %broadcast_in_dim3A_22 : f32 to vector<32x128xf32>
    %broadcast_in_dim3A_24 = arith.constant 0 : i32
    %broadcast_in_dim3A_25 = vector.broadcast %broadcast_in_dim3A_24 : i32 to vector<32x128xi32>
    %scan3A = arith.constant 0 : i32
    %scan3A_26 = arith.constant 100 : i32
    %scan3A_27 = arith.addi %scan3A, %scan3A_26 : i32
    %scan3A_28 = arith.constant 1 : i32
    %scan3A_29:3 = scf.for %scan3A_43 = %scan3A to %scan3A_27 step %scan3A_28 iter_args(%scan3A_44 = %select_n3A, %scan3A_45 = %broadcast_in_dim3A_23, %scan3A_46 = %broadcast_in_dim3A_25) -> (vector<32x512xf32>, vector<32x128xf32>, vector<32x128xi32>)  : i32 {
      %reduce_max3A = arith.constant dense<0xFF800000> : vector<32xf32>
      %reduce_max3A_47 = vector.multi_reduction <maximumf>, %scan3A_44, %reduce_max3A [1] : vector<32x512xf32> to vector<32xf32>
      %broadcast_in_dim3A_48 = vector.shape_cast %reduce_max3A_47 : vector<32xf32> to vector<32x1xf32>
      %eq3A_49 = vector.broadcast %broadcast_in_dim3A_48 : vector<32x1xf32> to vector<32x512xf32>
      %eq3A_50 = arith.cmpf oeq, %scan3A_44, %eq3A_49 : vector<32x512xf32>
      %jit3A_51 = arith.constant 1073741824 : i32
      %broadcast_in_dim3A_52 = vector.broadcast %jit3A_51 : i32 to vector<32x512xi32>
      %select_n3A_53 = arith.select %eq3A_50, %iota3A_19, %broadcast_in_dim3A_52 : vector<32x512xi1>, vector<32x512xi32>
      %reduce_min3A = arith.constant dense<2147483647> : vector<32xi32>
      %reduce_min3A_54 = vector.multi_reduction <minsi>, %select_n3A_53, %reduce_min3A [1] : vector<32x512xi32> to vector<32xi32>
      %broadcast_in_dim3A_55 = vector.shape_cast %reduce_min3A_54 : vector<32xi32> to vector<32x1xi32>
      %eq3A_56 = vector.broadcast %scan3A_43 : i32 to vector<32x128xi32>
      %eq3A_57 = arith.cmpi eq, %iota3A, %eq3A_56 : vector<32x128xi32>
      %broadcast_in_dim3A_58 = vector.shape_cast %broadcast_in_dim3A_48 : vector<32x1xf32> to vector<32x1xf32>
      %broadcast_in_dim3A_59 = vector.broadcast %broadcast_in_dim3A_58 : vector<32x1xf32> to vector<32x128xf32>
      %select_n3A_60 = arith.select %eq3A_57, %broadcast_in_dim3A_59, %scan3A_45 : vector<32x128xi1>, vector<32x128xf32>
      %eq3A_61 = vector.broadcast %scan3A_43 : i32 to vector<32x128xi32>
      %eq3A_62 = arith.cmpi eq, %iota3A, %eq3A_61 : vector<32x128xi32>
      %broadcast_in_dim3A_63 = vector.shape_cast %broadcast_in_dim3A_55 : vector<32x1xi32> to vector<32x1xi32>
      %broadcast_in_dim3A_64 = vector.broadcast %broadcast_in_dim3A_63 : vector<32x1xi32> to vector<32x128xi32>
      %select_n3A_65 = arith.select %eq3A_62, %broadcast_in_dim3A_64, %scan3A_46 : vector<32x128xi1>, vector<32x128xi32>
      %eq3A_66 = vector.broadcast %broadcast_in_dim3A_55 : vector<32x1xi32> to vector<32x512xi32>
      %eq3A_67 = arith.cmpi eq, %iota3A_19, %eq3A_66 : vector<32x512xi32>
      %jit3A_68 = arith.constant -1.000000e+30 : f32
      %broadcast_in_dim3A_69 = vector.broadcast %jit3A_68 : f32 to vector<32x512xf32>
      %select_n3A_70 = arith.select %eq3A_67, %broadcast_in_dim3A_69, %scan3A_44 : vector<32x512xi1>, vector<32x512xf32>
      scf.yield %select_n3A_70, %select_n3A_60, %select_n3A_65 : vector<32x512xf32>, vector<32x128xf32>, vector<32x128xi32>
    }
    %scan3A_30 = arith.constant 100 : i32
    %swap3A = arith.constant 0 : index
    %swap3A_31 = arith.constant 0 : index
    %swap3A_32 = vector.load %arg6[%swap3A, %swap3A_31] : memref<32x128xf32, #tpu.memory_space<vmem>>, vector<32x128xf32>
    tpu.vector_store %arg6[%swap3A, %swap3A_31], %scan3A_29#1 {strides = array<i32>} : memref<32x128xf32, #tpu.memory_space<vmem>>, vector<32x128xf32>,
    %swap3A_33 = arith.constant 0 : index
    %swap3A_34 = arith.constant 0 : index
    %swap3A_35 = arith.constant 0 : index
    %swap3A_36 = arith.constant 0 : index
    %swap3A_37 = vector.load %arg4[%swap3A_33, %swap3A_34, %swap3A_35, %swap3A_36] : memref<32x1x1x128xi32, #tpu.memory_space<vmem>>, vector<32x1x1x128xi32>
    %swap3A_38 = vector.shape_cast %swap3A_37 : vector<32x1x1x128xi32> to vector<32x128xi32>
    %swap3A_39 = vector.shape_cast %scan3A_29#2 : vector<32x128xi32> to vector<32x1x1x128xi32>
    tpu.vector_store %arg4[%swap3A_33, %swap3A_34, %swap3A_35, %swap3A_36], %swap3A_39 {strides = array<i32>} : memref<32x1x1x128xi32, #tpu.memory_space<vmem>>, vector<32x1x1x128xi32>,
    %swap3A_40 = arith.constant 0 : index
    %swap3A_41 = arith.constant 0 : index
    %swap3A_42 = vector.load %arg5[%swap3A_40, %swap3A_41] : memref<32x128xf32, #tpu.memory_space<vmem>>, vector<32x128xf32>
    tpu.vector_store %arg5[%swap3A_40, %swap3A_41], %scan3A_29#1 {strides = array<i32>} : memref<32x128xf32, #tpu.memory_space<vmem>>, vector<32x128xf32>,
    return
  }
  func.func @transform_0(%arg0: i32) -> (i32, i32, i32, i32) {
    %c0_i32 = arith.constant 0 : i32
    %c0_i32_0 = arith.constant 0 : i32
    %c0_i32_1 = arith.constant 0 : i32
    %c0_i32_2 = arith.constant 0 : i32
    return %c0_i32, %arg0, %c0_i32_0, %c0_i32_1 : i32, i32, i32, i32
  }
  func.func @transform_1(%arg0: i32) -> (i32, i32) {
    %c0_i32 = arith.constant 0 : i32
    %c0_i32_0 = arith.constant 0 : i32
    %c0_i32_1 = arith.constant 0 : i32
    return %c0_i32, %c0_i32_0 : i32, i32
  }
  func.func @transform_2(%arg0: i32) -> (i32, i32) {
    %c0_i32 = arith.constant 0 : i32
    %c0_i32_0 = arith.constant 0 : i32
    %c0_i32_1 = arith.constant 0 : i32
    return %c0_i32, %c0_i32_0 : i32, i32
  }
  func.func @transform_3(%arg0: i32) -> (i32, i32, i32, i32) {
    %c0_i32 = arith.constant 0 : i32
    %c0_i32_0 = arith.constant 0 : i32
    %c0_i32_1 = arith.constant 0 : i32
    %c0_i32_2 = arith.constant 0 : i32
    return %c0_i32, %arg0, %c0_i32_0, %c0_i32_1 : i32, i32, i32, i32
  }
  func.func @transform_4(%arg0: i32) -> (i32, i32) {
    %c0_i32 = arith.constant 0 : i32
    %c0_i32_0 = arith.constant 0 : i32
    %c0_i32_1 = arith.constant 0 : i32
    return %c0_i32, %c0_i32_0 : i32, i32
  }
}

</mosaic_0001>

<sc_bundles>
// kernel: kernel.5.cloned.1.call-start
scs
__scs_entry_jumppad:
0x0: {  	(pc) =	sbr.rel $0x88, $3  }
0x1: {  	(tag) =	ssettag $0x0;
	lr =	simm.s32 $0x1  }
0x2: {  	[smem:$0x3FA0] =	sst lr;
	_ =	strace $0xD0000000  }
0x3: {  	_ = 	snop  }
0x4: {  	_ = 	snop  }
0x5: {  	_ = 	snop  }
0x6: {  	_ = 	snop  }
0x7: {  	_ = 	snop  }
__scs_overlays_trampoline_lowered:
0x8: {  	[smem:$0x3FAF] =	sst s0  }
0x9: {  	[smem:$0x3FB0] =	sst s1  }
0xa: {  	[smem:$0x3FB1] =	sst s2  }
0xb: {  	[smem:$0x3FB2] =	sst s3  }
0xc: {  	[smem:$0x3FB3] =	sst s4  }
0xd: {  	[smem:$0x3FB4] =	sst s5  }
0xe: {  	[smem:$0x3FB5] =	sst s6  }
0xf: {  	[smem:$0x3FB6] =	sst s7  }
0x10: {  	[smem:$0x3FB7] =	sst s8  }
0x11: {  	[smem:$0x3FB8] =	sst s9;
	s0 =	simm.s32 @!p0 $0x0  }
0x12: {  	s1 =	sld [smem:$0x3F9E];
	s0 =	simm.s32 @p0 $0x1  }
0x13: {  	[smem:$0x3FB9] =	sst s0;
	s0 =	simm.s32 @!p1 $0x0  }
0x14: {  	s2 =	sld [smem:$0x3F9D];
	s0 =	simm.s32 @p1 $0x1  }
0x15: {  	[smem:$0x3FBA] =	sst s0;
	s0 =	simm.s32 @!p2 $0x0  }
0x16: {  	s3 =	sld [smem:$0x3FDB];
	s0 =	simm.s32 @p2 $0x1  }
0x17: {  	s4 =	simm.s32 $0x1BF5;
	[smem:$0x3FBC] =	sst s0  }
0x18: {  	s0 =	sld [smem:$0x3F9F];
	_ =	swait.ge [sflag:s4], $0x0  }
0x19: {  	s7 =	sld [smem:$0x3FA0]  }
0x1a: {  	s8 =	sadd.s32 $0xFFFFE003, lr  }
0x1b: {  	s9 =	sadd.s32 $0xFFFFFEF7, lr;
	s5 =	simm.s32 $0xFFFFFFFF;
	p2 =	slt.u32 s8, $0xFFFFF086  }
0x1c: {  	p1 =	slt.u32 s9, $0xF7A;
	s5 =	simm.s32 @!p2 $0x0  }
0x1d: {  	s5 =	simm.s32 @p1 $0x1;
	p0 =	seq.s32 s7, s2  }
0x1e: {  	s7 =	smul.u32 @!p0 $0xF7A, s2;
	p2 =	seq.s32 @!p0 s5, $0x0  }
0x1f: {  	s9 =	smul.u32 $0xF7A, s1;
	s8 =	simm.s32 @!p0 $0x1BF5;
	p2 =	por !p2, p0  }
0x20: {  	[sflag:s8] =	ssyncset.s32 @!p0 $0xFFFFF086;
	s6 =	sadd.s32 @!p0 s3, s7;
	s7 =	simm.s32 @!p0 $0x108  }
0x21: {  	s3 =	sadd.s32 s3, s9;
	s6 =	sadd.s32 @!p0 $0x88, s6;
	s7 =	simm.s32 @p2 $0x1082  }
0x22: {  	[simem:s7], [sflag:s8] =	dma.local @!p0 [hbm:s6], $0xF7A  }
0x23: {  	s9 =	sor.u32 $0xD0000000, s2;
	s6 =	simm.s32 $0x108;
	_ =	swait.ge @!p0 [sflag:s8], $0x0  }
0x24: {  	s3 =	sadd.s32 $0x88, s3;
	s6 =	simm.s32 @!p1 $0x1082;
	[sflag:s4] =	ssyncset.s32 $0xFFFFF086  }
0x25: {  	[simem:s6], [sflag:s4] =	dma.local [hbm:s3], $0xF7A  }
0x26: {  	[smem:$0x3FA0] =	sst s1;
	(tag) =	ssettag s2;
	_ =	strace s9  }
0x27: {  	s1 =	sld [smem:$0x3FB0]  }
0x28: {  	s2 =	sld [smem:$0x3FB1]  }
0x29: {  	s4 =	sld [smem:$0x3FB3]  }
0x2a: {  	p0 =	seq.s32 s5, $0x0;
	s5 =	sld [smem:$0x3FB4]  }
0x2b: {  	s6 =	sld [smem:$0x3FB5]  }
0x2c: {  	s7 =	sld [smem:$0x3FB6]  }
0x2d: {  	s3 =	simm.s32 $0x108;
	s8 =	sld [smem:$0x3FB7]  }
0x2e: {  	s3 =	simm.s32 @!p0 $0x1082;
	s9 =	sld [smem:$0x3FB8]  }
0x2f: {  	lr =	sadd.s32 s0, s3;
	s0 =	sld [smem:$0x3FAF]  }
0x30: {  	s3 =	sld [smem:$0x3FB2]  }
0x31: {  	[smem:$0x3FBB] =	sst s10  }
0x32: {  	s10 =	sld [smem:$0x3FB9];
	_ =	sdelay $0x3  }
0x33: {  	p0 =	seq.s32 s10, $0x1;
	s10 =	sld [smem:$0x3FBB];
	_ =	sdelay $0x3  }
0x34: {  	[smem:$0x3FBB] =	sst s10  }
0x35: {  	s10 =	sld [smem:$0x3FBA];
	_ =	sdelay $0x3  }
0x36: {  	p1 =	seq.s32 s10, $0x1;
	s10 =	sld [smem:$0x3FBB];
	_ =	sdelay $0x3  }
0x37: {  	[smem:$0x3FBB] =	sst s10  }
0x38: {  	s10 =	sld [smem:$0x3FBC]  }
0x39: {  	_ = 	snop;
	(pc) =	sbr.ind lr, $3  }
0x3a: {  	_ = 	snop  }
0x3b: {  	_ = 	snop  }
0x3c: {  	p2 =	seq.s32 s10, $0x1;
	s10 =	sld [smem:$0x3FBB]  }
0x3d: {  	_ =	shalt  }
0x3e: {  	_ =	shalt  }
0x3f: {  	_ =	shalt  }
0x40: {  	_ =	shalt  }
0x41: {  	_ =	shalt  }
0x42: {  	_ =	shalt  }
0x43: {  	_ =	shalt  }
0x44: {  	_ =	shalt  }
0x45: {  	_ =	shalt  }
0x46: {  	_ =	shalt  }
0x47: {  	_ =	shalt  }
0x48: {  	_ =	shalt  }
0x49: {  	_ =	shalt  }
0x4a: {  	_ =	shalt  }
0x4b: {  	_ =	shalt  }
0x4c: {  	_ =	shalt  }
0x4d: {  	_ =	shalt  }
0x4e: {  	_ =	shalt  }
0x4f: {  	_ =	shalt  }
0x50: {  	_ =	shalt  }
0x51: {  	_ =	shalt  }
0x52: {  	_ =	shalt  }
0x53: {  	_ =	shalt  }
0x54: {  	_ =	shalt  }
0x55: {  	_ =	shalt  }
0x56: {  	_ =	shalt  }
0x57: {  	_ =	shalt  }
0x58: {  	_ =	shalt  }
0x59: {  	_ =	shalt  }
0x5a: {  	_ =	shalt  }
0x5b: {  	_ =	shalt  }
0x5c: {  	_ =	shalt  }
0x5d: {  	_ =	shalt  }
0x5e: {  	_ =	shalt  }
0x5f: {  	_ =	shalt  }
0x60: {  	_ =	shalt  }
0x61: {  	_ =	shalt  }
0x62: {  	_ =	shalt  }
0x63: {  	_ =	shalt  }
0x64: {  	_ =	shalt  }
0x65: {  	_ =	shalt  }
0x66: {  	_ =	shalt  }
0x67: {  	_ =	shalt  }
0x68: {  	_ =	shalt  }
0x69: {  	_ =	shalt  }
0x6a: {  	_ =	shalt  }
0x6b: {  	_ =	shalt  }
0x6c: {  	_ =	shalt  }
0x6d: {  	_ =	shalt  }
0x6e: {  	_ =	shalt  }
0x6f: {  	_ =	shalt  }
0x70: {  	_ =	shalt  }
0x71: {  	_ =	shalt  }
0x72: {  	_ =	shalt  }
0x73: {  	_ =	shalt  }
0x74: {  	_ =	shalt  }
0x75: {  	_ =	shalt  }
0x76: {  	_ =	shalt  }
0x77: {  	_ =	shalt  }
0x78: {  	_ =	shalt  }
0x79: {  	_ =	shalt  }
0x7a: {  	_ =	shalt  }
0x7b: {  	_ =	shalt  }
0x7c: {  	_ =	shalt  }
0x7d: {  	_ =	shalt  }
0x7e: {  	_ =	shalt  }
0x7f: {  	_ =	shalt  }
0x80: {  	_ =	shalt  }
0x81: {  	_ =	shalt  }
0x82: {  	_ =	shalt  }
0x83: {  	_ =	shalt  }
0x84: {  	_ =	shalt  }
0x85: {  	_ =	shalt  }
0x86: {  	_ =	shalt  }
0x87: {  	_ =	shalt  }
.Lfunc_end0:
.L_simem_size_0:
called_computation_lowered:
.L_overlay_start_0:
0x88: {  	s2 =	sld [smem:$0x3FD9]  }
0x89: {  	s3 =	sld [smem:$0x3FFE];
	_ =	sdelay $0x1  }
0x8a: {  	s1 =	srdreg.scid  }
0x8b: {  	s0 =	sand.u32 $0x1, s1  }
0x8c: {  	s14 =	sshll.u32 s0, $0xA;
	s2 =	sadd.s32 s3, s2  }
0x8d: {  	s2 =	sadd.s32 s2, s14  }
0x8e: {  	[smem:$0x3FC7] =	sst s2  }
0x8f: {  	_ = 	snop  }
0x90: {  	s2 =	sld [smem:$0x3FD0];
	_ =	sdelay $0x2  }
0x91: {  	s15 =	simm.s32 $0xA;
	s4 =	simm.s32 $0x10  }
0x92: {  	[smem:s4], [sflag:s15] =	dma.local [hbm:s2], $0x1  }
0x93: {  	_ =	swait.eq [sflag:s15], $0x1  }
0x94: {  	[sflag:s15] =	ssyncset.done $0x0  }
0x95: {  	[sflag:s15] =	ssyncadd.s32 $0xFFFFFFFF  }
0x96: {  	s16 =	sld [smem:$0x10];
	(tm) =	ssettm $0x1  }
0x97: {  	s17 =	sld [smem:$0x3FFB];
	_ =	sdelay $0x3  }
0x98: {  	_ =	strace s17  }
0x99: {  	s3 =	sld [smem:$0x3FFC];
	_ =	sdelay $0x3  }
0x9a: {  	_ =	strace s3  }
0x9b: {  	s3 =	sld [smem:$0x3FFD];
	_ =	sdelay $0x3  }
0x9c: {  	_ =	strace s3  }
0x9d: {  	_ =	strace $0x8FFFFFFF  }
0x9e: {  	s18 =	sld [smem:$0x3FDB];
	_ =	sdelay $0x1  }
0x9f: {  	s19 =	simm.s32 $_scs_section_size  }
0xa0: {  	s5 =	simm.s32 $_size__tile_overlayer_lowered;
	s6 =	simm.s32 $_tile_overlayer_lowered  }
0xa1: {  	s22 =	simm.s32 $0x1BFF;
	s21 =	sshll.u32 s6, $0x1;
	s3 =	sadd.s32 s19, s18  }
0xa2: {  	s7 =	simm.s32 $0x0;
	s20 =	sshll.u32 s5, $0x1;
	s5 =	sadd.s32 s21, s3  }
0xa3: {  	[timem:s7], [sflag:s22] =	dma.local [hbm:s5], s20  }
0xa4: {  	_ =	swait.ge [sflag:s22], s20  }
0xa5: {  	s4 =	ssub.s32 $0x0, s20;
	[sflag:s22] =	ssyncset.done $0x0  }
0xa6: {  	[sflag:s22] =	ssyncadd.s32 s4;
	_ =	sdelay $0x1  }
0xa7: {  	s23 =	simm.s32 $0x1B8B  }
0xa8: {  	_ =	swait.ge [sflag:s23], $0x1  }
0xa9: {  	[sflag:s23] =	ssyncset.done $0x0  }
0xaa: {  	s25 =	simm.s32 $0x1B8E;
	s24 =	sld [smem:$0x3FFE];
	[sflag:s23] =	ssyncadd.s32 $0xFFFFFFFF  }
0xab: {  	s26 =	simm.s32 $execute0_lowered;
	[smem:$0x3FD2] =	sst s25  }
0xac: {  	s5 =	sshll.u32 s26, $0x1;
	_ =	strace $0x80000046;
	[dreg:$0x1] =	wrdreg $0xFFFFFFFF  }
0xad: {  	s28 =	simm.s32 $_size_execute0_lowered;
	s3 =	sadd.s32 s3, s5;
	[dreg:$0x0] =	wrdreg $0x0  }
0xae: {  	s5 =	sshll.u32 s28, $0x1;
	[dreg:$0x2] =	wrdreg s3  }
0xaf: {  	[dreg:$0x3] =	wrdreg s5  }
0xb0: {  	[dreg:$0x4] =	wrdreg $0xC0  }
0xb1: {  	_ =	task [dreg:s7], $0x5FFFF  }
0xb2: {  	[dreg:$0x1] =	wrdreg $0xFFFFFFFF  }
0xb3: {  	[dreg:$0x0] =	wrdreg $0x60  }
0xb4: {  	[dreg:$0x2] =	wrdreg s24  }
0xb5: {  	[dreg:$0x3] =	wrdreg s16  }
0xb6: {  	[dreg:$0x4] =	wrdreg $0x9  }
0xb7: {  	_ =	task.clear_ibuf [dreg:s7], $0x5FFFF;
	_ =	strace $0x90000046  }
0xb8: {  	s29 =	simm.s32 $0x9;
	_ =	strace $0x80000048  }
0xb9: {  	_ =	swait.ge [sflag:s29], $0x1  }
0xba: {  	[sflag:s29] =	ssyncadd.s32 $0xFFFFFFFF  }
0xbb: {  	_ =	strace $0x90000048  }
0xbc: {  	_ =	sfence  }
0xbd: {  	s30 =	sld [smem:$0x0];
	_ =	sdelay $0x2  }
0xbe: {  	s31 =	sshll.u32 s1, $0xD;
	s1 =	sshrl.u32 s1, $0x2  }
0xbf: {  	s3 =	sand.u32 $0x4000, s31;
	s1 =	sadd.s32 s1, s30  }
0xc0: {  	s0 =	sor.u32 s3, s0;
	s1 =	sshll.u32 s1, $0x11  }
0xc1: {  	s0 =	sor.u32 s1, s0  }
0xc2: {  	s0 =	sadd.s32 $0x8F2B, s0  }
0xc3: {  	[sflag:s0] =	ssyncadd.remote.s32 $0x1  }
0xc4: {  	_ =	sfence.sel $0xFFFF  }
0xc5: {  	[dreg:$0x0] =	wrdreg $0xFFFFFFFF;
	(pc) =	sbr.abs _section_cstart, $3  }
0xc6: {  	[dreg:$0x1] =	wrdreg $0xFFFFFFFF  }
0xc7: {  	_ =	task.clear_ibuf [dreg:s7], $0x2FFFF;
	_ =	strace $0x9FFFFFFF  }
0xc8: {  	(tm) =	ssettm $0x7FFFFFFF  }
0xc9: {  	_ =	shalt  }
tec
execute0_lowered:
.L_overlay_start_1:
0x0: {  	(tag) =	ssettag $0x1  }
0x1: {  	s1 =	srdreg.scid  }
0x2: {  	s0 =	stileid.u32;
	s4 =	rddreg [dreg:$0x0]  }
0x3: {  	s7 =	rddreg [dreg:$0x1];
	s11 =	simm.s32 $0x1;
	s12 =	simm.s32 $0x8000  }
0x4: {  	s13 =	simm.s32 $0x10000;
	s14 =	simm.s32 $0x10200;
	s15 =	simm.s32 $0x10400  }
0x5: {  	s16 =	simm.s32 $0x10500;
	s17 =	simm.s32 $0x0;
	s5 =	sand.u32 $0x1, s1  }
0x6: {  	s29 =	sshll.u32 s0, $0x8;
	s6 =	sshrl.u32 s0, $0x2;
	s2 =	sshll.u32 s5, $0x7  }
0x7: {  	s1 =	sand.u32 $0x300, s29;
	s3 =	sshll.u32 s6, $0x12;
	s5 =	ssub.s32 $0x2, s5  }
0x8: {  	s6 =	sshll.u32 s6, $0xB;
	s8 =	sor.u32 s2, s1;
	s1 =	rddreg [dreg:$0x2]  }
0x9: {  	s2 =	simm.s32 $0x0;
	s10 =	sshrl.u32 s5, $0x1;
	s3 =	sor.u32 s3, s8  }
0xa: {  	[smem:$0x7FF] =	sst s2;
	s6 =	sor.u32 s6, s8;
	s30 =	ssub.s32 s5, s10  }
0xb: {  	s10 =	simm.s32 $0x400;
	s3 =	sshrl.u32 s3, $0x3;
	_ =	strace $0x80000047  }
0xc: {  	s31 =	sshrl.u32 s6, $0x3;
	s8 =	smax.u32 s30, $0x1;
	s9 =	sadd.s32 s3, s4  }
0xd: {  	v0 =	vlaneseq.u32;
	s3 =	sadd.s32 $0x41400, s4;
	s4 =	sadd.s32 $0x41200, s4;
	s7 =	sadd.s32 s7, s31  }
0xe: {  	v1 =	vimm.s32 $0xFFFFFFFF;
	v3 =	vimm.s32 $0x0;
	v2 =	vadd.s32 $0xFFFFFFFF, v0;
	s5 =	sadd.s32 $0x21200, s9;
	s6 =	sadd.s32 $0x1200, s9;
	s9 =	simm.s32 $0x80  }
.LBB2_1:
0xf: {  	[tilespmem:s2], [sflag:$0x1] =	stream.strided.gather [hbm4b:s5+s9], $0x8000, s10, s9, $0x38;
	[tilespmem:$0x10600] =	vst v63  }
0x10: {  	_ =	swait.ge [sflag:s11], $0x8000  }
0x11: {  	[sflag:s11] =	ssyncset.done $0x0  }
0x12: {  	[sflag:s11] =	ssyncadd.s32 $0xFFFF8000  }
0x13: {  	[tilespmem:s12], [sflag:$0x1] =	stream.strided.gather [hbm4b:s6+s9], $0x8000, s10, s9, $0x38;
	[tilespmem:$0x10600] =	vst v63  }
0x14: {  	_ =	swait.ge [sflag:s11], $0x8000  }
0x15: {  	[sflag:s11] =	ssyncset.done $0x0  }
0x16: {  	s18 =	simm.s32 $0xFF;
	[sflag:s11] =	ssyncadd.s32 $0xFFFF8000  }
0x17: {  	[tilespmem:s13], [sflag:$0x1] =	stream.linear.gather [hbm4b:s3+s2], $0x200, $0x38;
	[tilespmem:$0x10600] =	vst v63  }
0x18: {  	v4 =	vmov s18;
	_ =	swait.ge [sflag:s11], $0x200  }
0x19: {  	v5 =	vshll.u32 v4, $0x7;
	[sflag:s11] =	ssyncset.done $0x0  }
0x1a: {  	v6 =	vadd.s32 v3, v5;
	[sflag:s11] =	ssyncadd.s32 $0xFFFFFE00  }
0x1b: {  	[tilespmem:s14], [sflag:$0x1] =	stream.linear.gather [hbm4b:s4+s2], $0x200, $0x38;
	[tilespmem:$0x10600] =	vst v63  }
0x1c: {  	_ =	swait.ge [sflag:s11], $0x200  }
0x1d: {  	[sflag:s11] =	ssyncset.done $0x0  }
0x1e: {  	[sflag:s11] =	ssyncadd.s32 $0xFFFFFE00  }
0x1f: {  	v6 =	vld.idx.msk [tilespmem:v6+s2+$0x0], $0xffff;
	_ =	sdelay $0x7  }
0x20: {  	v7 =	vld.idx.msk [tilespmem:v6+s14+$0x0], $0xffff;
	_ =	sdelay $0x4  }
0x21: {  	v7 =	vadd.s32 v5, v7  }
0x22: {  	v9 =	vld.idx.msk [tilespmem:v6+s13+$0x0], $0xffff;
	_ =	sdelay $0x1  }
0x23: {  	s31 =	simm.s32 $0xFE  }
0x24: {  	v6 =	vmov s31  }
0x25: {  	v5 =	vshll.u32 v6, $0x7;
	v8 =	vld.idx.msk [tilespmem:v7+s12+$0x0], $0xffff  }
0x26: {  	s19 =	simm.s32 $0xFD;
	s20 =	simm.s32 $0x0;
	v7 =	vadd.s32 v9, v5  }
.LBB2_2:
0x27: {  	_ =	sdelay $0x1  }
0x28: {  	s18 =	simm.s32 $0x0  }
0x29: {  	p0 =	sne.s32 s19, $0x0;
	s21 =	smov.u32 s19;
	s19 =	sadd.s32 $0xFFFFFFFF, s19;
	[tilespmem:v4+s15+$0x0] =	vst.idx.msk $0x1, v8;
	v4 =	vmov v6  }
0x2a: {  	v6 =	vld.idx.msk [tilespmem:v7+s20+$0x0], $0xffff;
	s20 =	smov.u32 s18;
	_ =	sdelay $0x7  }
0x2b: {  	v7 =	vld.idx.msk [tilespmem:v6+s14+$0x0], $0xffff;
	_ =	sdelay $0x5  }
0x2c: {  	v5 =	vadd.s32 v5, v7;
	_ =	sdelay $0x1  }
0x2d: {  	v7 =	vld.idx.msk [tilespmem:v6+s13+$0x0], $0xffff  }
.Ltmp0:
0x2e: {  	(pc) =	sbr.rel @p0 .LBB2_2-.Ltmp0, $4  }
0x2f: {  	_ = 	snop  }
0x30: {  	v6 =	vmov s21;
	v8 =	vld.idx.msk [tilespmem:v5+s12+$0x0], $0xffff  }
0x31: {  	v5 =	vshll.u32 v6, $0x7  }
0x32: {  	v7 =	vadd.s32 v7, v5  }
0x33: {  	_ =	sdelay $0x3  }
0x34: {  	[tilespmem:v4+s15+$0x0] =	vst.idx.msk $0x1, v8  }
0x35: {  	v4 =	vld.idx.msk [tilespmem:v7+s20+$0x0], $0xffff;
	_ =	sdelay $0x7  }
0x36: {  	v4 =	vld.idx.msk [tilespmem:v4+s14+$0x0], $0xffff;
	_ =	sdelay $0x4  }
0x37: {  	v4 =	vadd.s32 v5, v4;
	_ =	sdelay $0x4  }
0x38: {  	v4 =	vld.idx.msk [tilespmem:v4+s12+$0x0], $0xffff;
	_ =	sdelay $0x4  }
0x39: {  	s19 =	simm.s32 $0x0;
	[tilespmem:v6+s15+$0x0] =	vst.idx.msk $0x1, v4  }
.LBB2_4:
0x3a: {  	v4 =	vor.u32 s19, v0;
	p0 =	sne.s32 s19, $0xF0  }
.Ltmp1:
0x3b: {  	_ = 	snop;
	(pc) =	sbr.rel @p0 .LBB2_4-.Ltmp1, $2  }
0x3c: {  	_ =	sdelay $0x2  }
0x3d: {  	s19 =	sadd.s32 $0x10, s19;
	[tilespmem:v4+s16+$0x0] =	vst.idx.msk $0xffff, v1  }
0x3e: {  	v4 =	vadd.s32 s18, v2  }
0x3f: {  	vm0 =	vgt.s32 v4, $0x0  }
0x40: {  	v4 =	vnsel vm0, $0x0, v4  }
0x41: {  	v5 =	vor.u32 s18, v0;
	_ =	sdelay $0x3  }
0x42: {  	v6 =	vld.idx.msk [tilespmem:v4+s15+$0x0], $0xffff  }
0x43: {  	v4 =	vld.idx.msk [tilespmem:v5+s15+$0x0], $0xffff;
	_ =	sdelay $0x1  }
0x44: {  	v5 =	vmov s18  }
0x45: {  	vm0 =	veq.s32 v5, v0  }
0x46: {  	v5 =	vsel vm0, $0xFFFFFFFF, v6  }
0x47: {  	vm1 =	vne.s32 v4, $0x3FF;
	vm0 =	vne.s32 v4, v5  }
0x48: {  	vm0 =	vmand vm1, vm0  }
0x49: {  	v5 =	vsel vm0, $0x1, v3  }
0x4a: {  	(xrf0) =	vadd.scan.msk.s32 $0xffff, v5;
	_ =	sdelay $0x5  }
0x4b: {  	v6 =	vmpcnt.ones.xlane vm0;
	v5 =	vimm.s32 $0x0;
	v7, _, _ =	vpop (xrf0)  }
0x4c: {  	v7 =	vadd.s32 v7, v5  }
0x4d: {  	s18 =	simm.s32 $0x10;
	v6 =	vadd.s32 v5, v6;
	v8 =	vadd.s32 $0xFFFFFFFF, v7  }
0x4e: {  	s19 =	simm.s32 $0x20;
	v5 =	vmov v6;
	v7 =	vadd.s32 s18, v2;
	vm1 =	vgt.s32 v8, $0x0  }
.LBB2_6:
0x4f: {  	p0 =	sne.s32 s19, $0xF0;
	vm2 =	vgt.s32 v7, $0x0;
	v8 =	vnsel vm1, $0x0, v8  }
0x50: {  	v7 =	vnsel vm2, $0x0, v7  }
0x51: {  	v9 =	vor.u32 s18, v0;
	_ =	sdelay $0x2  }
0x52: {  	[tilespmem:v8+s16+$0x0] =	vst.idx.msk vm0, v4  }
0x53: {  	v7 =	vld.idx.msk [tilespmem:v7+s15+$0x0], $0xffff  }
0x54: {  	v4 =	vld.idx.msk [tilespmem:v9+s15+$0x0], $0xffff;
	_ =	sdelay $0x2  }
0x55: {  	v8 =	vmov s18;
	s18 =	smov.u32 s19  }
0x56: {  	vm0 =	veq.s32 v8, v0  }
0x57: {  	v7 =	vsel vm0, $0xFFFFFFFF, v7  }
0x58: {  	vm0 =	vne.s32 v4, v7;
	vm1 =	vne.s32 v4, $0x3FF  }
0x59: {  	vm0 =	vmand vm1, vm0  }
0x5a: {  	v7 =	vsel vm0, $0x1, v3;
	v8 =	vmpcnt.ones.xlane vm0  }
0x5b: {  	(xrf0) =	vadd.scan.msk.s32 $0xffff, v7  }
0x5c: {  	v6 =	vadd.s32 v6, v8;
	_ =	sdelay $0x3  }
.Ltmp2:
0x5d: {  	(pc) =	sbr.rel @p0 .LBB2_6-.Ltmp2, $4  }
0x5e: {  	v7, _, _ =	vpop (xrf0)  }
0x5f: {  	v7 =	vadd.s32 v7, v5;
	v5 =	vmov v6  }
0x60: {  	v8 =	vadd.s32 $0xFFFFFFFF, v7  }
0x61: {  	s19 =	sadd.s32 $0x10, s19;
	v7 =	vadd.s32 s18, v2;
	vm1 =	vgt.s32 v8, $0x0  }
0x62: {  	vm2 =	vgt.s32 v7, $0x0;
	v6 =	vnsel vm1, $0x0, v8  }
0x63: {  	v7 =	vnsel vm2, $0x0, v7  }
0x64: {  	v62 =	vor.u32 s18, v0;
	_ =	sdelay $0x2  }
0x65: {  	[tilespmem:v6+s16+$0x0] =	vst.idx.msk vm0, v4  }
0x66: {  	v4 =	vld.idx.msk [tilespmem:v7+s15+$0x0], $0xffff  }
0x67: {  	v6 =	vld.idx.msk [tilespmem:v62+s15+$0x0], $0xffff;
	_ =	sdelay $0x1  }
0x68: {  	v63 =	vmov s18  }
0x69: {  	vm13 =	veq.s32 v63, v0  }
0x6a: {  	v4 =	vsel vm13, $0xFFFFFFFF, v4  }
0x6b: {  	vm14 =	vne.s32 v6, $0x3FF;
	vm0 =	vne.s32 v6, v4  }
0x6c: {  	vm0 =	vmand vm14, vm0  }
0x6d: {  	v4 =	vsel vm0, $0x1, v3  }
0x6e: {  	(xrf0) =	vadd.scan.msk.s32 $0xffff, v4;
	_ =	sdelay $0x5  }
0x6f: {  	v4, _, _ =	vpop (xrf0)  }
0x70: {  	v4 =	vadd.s32 v4, v5  }
0x71: {  	v4 =	vadd.s32 $0xFFFFFFFF, v4  }
0x72: {  	vm15 =	vgt.s32 v4, $0x0  }
0x73: {  	v4 =	vnsel vm15, $0x0, v4;
	_ =	sdelay $0x2  }
0x74: {  	s17 =	sadd.s32 $0x1, s17  }
0x75: {  	p0 =	sne.s32 s17, s8  }
.Ltmp3:
0x76: {  	[tilespmem:v4+s16+$0x0] =	vst.idx.msk vm0, v6;
	(pc) =	sbr.rel @p0 .LBB2_1-.Ltmp3, $4  }
0x77: {  	[hbm4b:s7+s9] =	stream.strided.scatter [tilespmem:s16], [sflag:$0x1], $0x100, s10, s9, $0x38;
	[tilespmem:$0x10600] =	vst v63  }
0x78: {  	_ =	swait.ge [sflag:s11], $0x100  }
0x79: {  	[sflag:s11] =	ssyncset.done $0x0  }
0x7a: {  	[sflag:s11] =	ssyncadd.s32 $0xFFFFFF00  }
0x7b: {  	_ =	sfence.sel $0x180000  }
0x7c: {  	[bflag:$0x0] =	sbarrier.arrive $0xFFFF  }
0x7d: {  	p0 =	sne.s32 s0, $0x0;
	_ =	strace $0x90000047  }
0x7e: {  	s0 =	sadd.s32 @!p0 $0x100000, s1;
	[bflag:$0x2] =	sbarrier.arrive $0xFFFF  }
0x7f: {  	[sflag:s0] =	ssyncadd.tile.s32 @!p0 $0x1;
	_ =	shalt  }
.Lfunc_end2:
_tile_overlayer_lowered:
.L_overlay_start_2:
0x80: {  	(tag) =	ssettag $0x2  }
0x81: {  	s0 =	rddreg [dreg:$0x0];
	s2 =	stileid.u32  }
0x82: {  	s1 =	rddreg [dreg:$0x1];
	p0 =	sne.s32 s2, $0x0  }
0x83: {  	s3 =	rddreg [dreg:$0x2];
	[bflag:$0x3] =	sbarrier.arrive $0xFFFF;
	s2 =	simm.s32 @!p0 $0x1C01  }
0x84: {  	[timem:s3], [sflag:s2] =	dma.local @!p0 [hbm:s0], s1  }
0x85: {  	s0 =	simm.s32 @!p0 $0x1  }
0x86: {  	_ =	swait.ge @!p0 [sflag:s0], s1  }
0x87: {  	s1 =	ssub.s32 @!p0 $0x0, s1;
	[sflag:s0] =	ssyncset.done @!p0 $0x0  }
0x88: {  	[sflag:s0] =	ssyncadd.s32 @!p0 s1  }
0x89: {  	[bflag:$0x3] =	sbarrier.arrive $0xFFFF  }
0x8a: {  	_ =	shalt  }

</sc_bundles>
